<compile_context>
chip_gen: v7x
topology: tpu7x:2x2x1
jax: 0.10.2.dev20260603
libtpu: 0.0.44.dev20260713+nightly
codegen_flags: <defaults>
</compile_context>

<pallas_src>
import functools

import jax
import jax.numpy as jnp
from jax import lax
from jax.experimental import pallas as pl
from jax.experimental.pallas import tpu as pltpu
from jax.experimental.pallas import tpu_sc as plsc

STATE_DIM = 256
HID = 256
BATCH = 64
BAG = 2048
N_SELECT = 32
ROWS = BATCH * BAG
MLP_BLK = 4096
NBUF = 4
W2PAD = 128


def _mlp_body(x_hbm, w1_ref, b1_ref, w2_ref, out_ref, xbuf, sems):
    nb = ROWS // MLP_BLK

    def copy_in(blk, slot):
        return pltpu.make_async_copy(
            x_hbm.at[pl.ds(blk * MLP_BLK, MLP_BLK), :],
            xbuf.at[slot], sems.at[slot])

    for b in range(NBUF - 1):
        copy_in(b, b).start()

    def step(i, carry):
        slot = lax.rem(i, NBUF)
        nslot = lax.rem(i + NBUF - 1, NBUF)

        @pl.when(i + NBUF - 1 < nb)
        def _():
            copy_in(i + NBUF - 1, nslot).start()

        copy_in(i, slot).wait()
        xq = xbuf[slot]
        h = lax.dot_general(xq, w1_ref[...], (((1,), (0,)), ((), ())),
                            preferred_element_type=jnp.float32)
        h = jnp.maximum(h + b1_ref[...], 0.0)
        s = lax.dot_general(w2_ref[...], h, (((1,), (1,)), ((), ())),
                            preferred_element_type=jnp.float32)
        out_ref[pl.ds(i, 1), :] = s[0:1, :]
        return carry

    lax.fori_loop(0, nb, step, 0)


def _topk_body(p_ref, act_ref, flat_ref, lp_ref, cl_ref):
    cl_ref[...] = p_ref[...]
    col = lax.broadcasted_iota(jnp.int32, (BATCH, BAG), 1)
    kcol = lax.broadcasted_iota(jnp.int32, (BATCH, N_SELECT), 1)

    def body(k, carry):
        acts, logsum = carry
        c = cl_ref[...]
        m = jnp.max(c, axis=1, keepdims=True)
        isel = jnp.min(jnp.where(c == m, col, BAG), axis=1, keepdims=True)
        logsum = logsum + jnp.log(m)
        cl_ref[...] = jnp.where(col == isel, -1.0, c)
        acts = jnp.where(kcol == k, isel, acts)
        return acts, logsum

    acts, logsum = lax.fori_loop(
        0, N_SELECT, body,
        (jnp.zeros((BATCH, N_SELECT), jnp.int32),
         jnp.zeros((BATCH, 1), jnp.float32)))
    act_ref[...] = acts
    row = lax.broadcasted_iota(jnp.int32, (BATCH, N_SELECT), 0)
    flat_ref[...] = acts + row * BAG
    lp_ref[...] = logsum


def _mlp_scores(xf, W1T16, b1, W2P16):
    return pl.pallas_call(
        _mlp_body,
        in_specs=[
            pl.BlockSpec(memory_space=pl.ANY),
            pl.BlockSpec((STATE_DIM, HID), lambda: (0, 0)),
            pl.BlockSpec((1, HID), lambda: (0, 0)),
            pl.BlockSpec((W2PAD, HID), lambda: (0, 0)),
        ],
        out_specs=pl.BlockSpec((ROWS // MLP_BLK, MLP_BLK), lambda: (0, 0)),
        out_shape=jax.ShapeDtypeStruct((ROWS // MLP_BLK, MLP_BLK),
                                       jnp.float32),
        scratch_shapes=[
            pltpu.VMEM((NBUF, MLP_BLK, STATE_DIM), jnp.float32),
            pltpu.SemaphoreType.DMA((NBUF,)),
        ],
    )(xf, W1T16, b1.reshape(1, HID), W2P16)


def _topk(clamped):
    return pl.pallas_call(
        _topk_body,
        out_shape=[
            jax.ShapeDtypeStruct((BATCH, N_SELECT), jnp.int32),
            jax.ShapeDtypeStruct((BATCH, N_SELECT), jnp.int32),
            jax.ShapeDtypeStruct((BATCH, 1), jnp.float32),
        ],
        scratch_shapes=[pltpu.VMEM((BATCH, BAG), jnp.float32)],
    )(clamped)


def _sc_gather(xf, flat_idx):
    info = plsc.get_sparse_core_info()
    nc, ns = info.num_cores, info.num_subcores
    nw = nc * ns
    b_per_w = (BATCH * N_SELECT) // nw

    @functools.partial(
        pl.kernel,
        mesh=plsc.VectorSubcoreMesh(core_axis_name="c", subcore_axis_name="s"),
        out_type=jax.ShapeDtypeStruct((BATCH * N_SELECT, STATE_DIM),
                                      jnp.float32),
        scratch_types=[
            pltpu.VMEM((b_per_w,), jnp.int32),
            pltpu.VMEM((b_per_w, STATE_DIM), jnp.float32),
            pltpu.SemaphoreType.DMA,
        ],
    )
    def gather(table_hbm, idx_hbm, out_hbm, idx_v, rows_v, sem):
        wid = lax.axis_index("s") * nc + lax.axis_index("c")
        base = wid * b_per_w
        pltpu.sync_copy(idx_hbm.at[pl.ds(base, b_per_w)], idx_v)
        pltpu.async_copy(table_hbm.at[idx_v], rows_v, sem).wait()
        pltpu.sync_copy(rows_v, out_hbm.at[pl.ds(base, b_per_w)])

    return gather(xf, flat_idx)


def kernel(x, W1, b1, W2, b2):
    B, N, D = x.shape
    xf = x.reshape(B * N, D)
    W1T16 = W1.T.astype(jnp.bfloat16)
    W2P16 = jnp.zeros((W2PAD, HID), jnp.bfloat16).at[0].set(
        W2[0].astype(jnp.bfloat16))
    s_raw = _mlp_scores(xf, W1T16, b1, W2P16)
    probs = jax.nn.sigmoid(s_raw.reshape(B, N) + b2[0])
    clamped = jnp.clip(probs, 1e-8, 1.0)
    action, flat, lp = _topk(clamped)
    sel = _sc_gather(xf, flat.reshape(B * N_SELECT))
    return (probs, action, lp.reshape(B), sel.reshape(B, N_SELECT, D))

# --- scband reference (transcript-rebuilt; emitter-appended) ---
"""Pipeline reference for scband-policy-network-9509057593612 (READ-ONLY COPY).

The authoritative reference and input builder live on the scoring server;
editing this copy changes nothing except your own understanding.
"""

import jax, jax.numpy as jnp
import numpy as np

STATE_DIM = 256
HID = 256
BATCH = 64
BAG = 2048
N_SELECT = 32


def setup_inputs(seed: int = 0) -> dict:
    key = jax.random.key(seed)
    k1, k2, k3 = jax.random.split(key, 3)
    x = jax.random.normal(k1, (BATCH, BAG, STATE_DIM), dtype=jnp.float32)
    # xavier_uniform init for actor Linear(state_dim, 256)
    lim1 = float(np.sqrt(6.0 / (STATE_DIM + HID)))
    W1 = jax.random.uniform(k2, (HID, STATE_DIM), minval=-lim1, maxval=lim1, dtype=jnp.float32)
    b1 = jnp.full((HID,), 0.01, dtype=jnp.float32)
    # xavier_uniform init for actor Linear(256, 1)
    lim2 = float(np.sqrt(6.0 / (HID + 1)))
    W2 = jax.random.uniform(k3, (1, HID), minval=-lim2, maxval=lim2, dtype=jnp.float32)
    b2 = jnp.full((1,), 0.01, dtype=jnp.float32)
    return {"x": x, "W1": W1, "b1": b1, "W2": W2, "b2": b2}


def reference(x, W1, b1, W2, b2):
    # ActorNetwork forward: flatten (B, N, D) -> (B*N, D), MLP, sigmoid
    B, N, D = x.shape
    xf = x.reshape(-1, D)
    h = jnp.maximum(xf @ W1.T + b1, 0.0)  # Dropout(0.1) is a no-op in eval
    scores = (h @ W2.T + b2).reshape(B, N)
    action_probs = jax.nn.sigmoid(scores)
    # sample_action, algorithm='static' (deterministic top-k selection)
    clamped = jnp.clip(action_probs, 1e-8, 1.0)
    _, action = jax.lax.top_k(clamped, N_SELECT)  # (B, n_to_select) int32
    gathered = jnp.take_along_axis(clamped, action, axis=1)
    log_prob = jnp.sum(jnp.log(gathered), axis=1)  # (B,)
    # select_from_action: gather selected instances
    batch_idx = jnp.arange(B)[:, None]
    selected_x = x[batch_idx, action]  # (B, n_to_select, D)
    return (action_probs, action, log_prob, selected_x)

if __name__ == "__main__":
    import jax
    _d = setup_inputs()
    print(jax.jit(kernel)(*tuple(_d.values())))

</pallas_src>

<mosaic_0001>
#map = affine_map<(d0, d1) -> (0, 0)>
#map1 = affine_map<(d0, d1) -> (0)>
module attributes {stable_mosaic.version = 14 : i64} {
  func.func @gather(%arg0: i32, %arg1: i32, %arg2: memref<131072x256xf32, #tpu.memory_space<hbm>>, %arg3: memref<2048xi32, #tpu.memory_space<hbm>>, %arg4: memref<2048x256xf32, #tpu.memory_space<hbm>>, %arg5: memref<64xi32, #tpu.memory_space<vmem>>, %arg6: memref<64x256xf32, #tpu.memory_space<vmem>>, %arg7: memref<!tpu.dma_semaphore, #tpu.memory_space<semaphore_mem>>) attributes {dimension_semantics = [#tpu.dimension_semantics<core_parallel>, #tpu.dimension_semantics<subcore_parallel>], iteration_bounds = array<i64: 2, 16>, scalar_prefetch = 0 : i64, scratch_operands = 3 : i64, tpu.core_type = #tpu.core_type<sc_vector_subcore>, window_params = [{transform_indices = #map}, {transform_indices = #map1}, {transform_indices = #map}]} {
    %mul3A = arith.constant 2 : i32
    %mul3A_0 = arith.muli %arg1, %mul3A : i32
    %add3A = arith.addi %mul3A_0, %arg0 : i32
    %mul3A_1 = arith.constant 64 : i32
    %mul3A_2 = arith.muli %add3A, %mul3A_1 : i32
    "tpu.region"() ({
      %run_scoped3A = tpu.sem_alloc : memref<!tpu.dma_semaphore, #tpu.memory_space<semaphore_mem>>
      %dma_start3A_7 = tpu.memref_slice %arg3[%mul3A_2] : memref<2048xi32, #tpu.memory_space<hbm>> -> memref<64xi32, #tpu.memory_space<hbm>>
      %dma_start3A_8 = tpu.memref_slice %arg3[%mul3A_2] : memref<2048xi32, #tpu.memory_space<hbm>> -> memref<64xi32, #tpu.memory_space<hbm>>
      tpu.enqueue_dma source(%dma_start3A_8 : memref<64xi32, #tpu.memory_space<hbm>>) target(%arg5 : memref<64xi32, #tpu.memory_space<vmem>>) target_semaphore(%run_scoped3A : memref<!tpu.dma_semaphore, #tpu.memory_space<semaphore_mem>>)
      %dma_wait3A_9 = tpu.memref_slice %arg3[%mul3A_2] : memref<2048xi32, #tpu.memory_space<hbm>> -> memref<64xi32, #tpu.memory_space<hbm>>
      %dma_wait3A_10 = tpu.memref_slice %arg3[%mul3A_2] : memref<2048xi32, #tpu.memory_space<hbm>> -> memref<64xi32, #tpu.memory_space<hbm>>
      tpu.wait_dma2 semaphore(%run_scoped3A : memref<!tpu.dma_semaphore, #tpu.memory_space<semaphore_mem>>) src(%dma_wait3A_10 : memref<64xi32, #tpu.memory_space<hbm>>) dst(%arg5 : memref<64xi32, #tpu.memory_space<vmem>>)
      tpu.yield
    }) : () -> ()
    %dma_start3A = arith.constant 0 : i32
    %dma_start3A_3 = arith.constant 0 : i32
    %dma_start3A_4 = tpu.memref_slice %arg2[%dma_start3A, %dma_start3A_3] : memref<131072x256xf32, #tpu.memory_space<hbm>> -> memref<131072x256xf32, #tpu.memory_space<hbm>>
    tpu.enqueue_indirect_dma source(%dma_start3A_4 : memref<131072x256xf32, #tpu.memory_space<hbm>>) target(%arg6 : memref<64x256xf32, #tpu.memory_space<vmem>>) offsets(%arg5 : memref<64xi32, #tpu.memory_space<vmem>>) semaphore(%arg7 : memref<!tpu.dma_semaphore, #tpu.memory_space<semaphore_mem>>)
    %dma_wait3A = arith.constant 0 : i32
    %dma_wait3A_5 = arith.constant 0 : i32
    %dma_wait3A_6 = tpu.memref_slice %arg2[%dma_wait3A, %dma_wait3A_5] : memref<131072x256xf32, #tpu.memory_space<hbm>> -> memref<131072x256xf32, #tpu.memory_space<hbm>>
    tpu.wait_indirect_dma semaphore(%arg7 : memref<!tpu.dma_semaphore, #tpu.memory_space<semaphore_mem>>) src(%dma_wait3A_6 : memref<131072x256xf32, #tpu.memory_space<hbm>>) dst(%arg6 : memref<64x256xf32, #tpu.memory_space<vmem>>)
    "tpu.region"() ({
      %run_scoped3A = tpu.sem_alloc : memref<!tpu.dma_semaphore, #tpu.memory_space<semaphore_mem>>
      %dma_start3A_7 = arith.constant 0 : i32
      %dma_start3A_8 = tpu.memref_slice %arg4[%mul3A_2, %dma_start3A_7] : memref<2048x256xf32, #tpu.memory_space<hbm>> -> memref<64x256xf32, #tpu.memory_space<hbm>>
      %dma_start3A_9 = arith.constant 0 : i32
      %dma_start3A_10 = tpu.memref_slice %arg4[%mul3A_2, %dma_start3A_9] : memref<2048x256xf32, #tpu.memory_space<hbm>> -> memref<64x256xf32, #tpu.memory_space<hbm>>
      tpu.enqueue_dma source(%arg6 : memref<64x256xf32, #tpu.memory_space<vmem>>) target(%dma_start3A_10 : memref<64x256xf32, #tpu.memory_space<hbm>>) target_semaphore(%run_scoped3A : memref<!tpu.dma_semaphore, #tpu.memory_space<semaphore_mem>>)
      %dma_wait3A_11 = arith.constant 0 : i32
      %dma_wait3A_12 = tpu.memref_slice %arg4[%mul3A_2, %dma_wait3A_11] : memref<2048x256xf32, #tpu.memory_space<hbm>> -> memref<64x256xf32, #tpu.memory_space<hbm>>
      %dma_wait3A_13 = arith.constant 0 : i32
      %dma_wait3A_14 = tpu.memref_slice %arg4[%mul3A_2, %dma_wait3A_13] : memref<2048x256xf32, #tpu.memory_space<hbm>> -> memref<64x256xf32, #tpu.memory_space<hbm>>
      tpu.wait_dma2 semaphore(%run_scoped3A : memref<!tpu.dma_semaphore, #tpu.memory_space<semaphore_mem>>) src(%arg6 : memref<64x256xf32, #tpu.memory_space<vmem>>) dst(%dma_wait3A_14 : memref<64x256xf32, #tpu.memory_space<hbm>>)
      tpu.yield
    }) : () -> ()
    return
  }
}

module attributes {stable_mosaic.version = 14 : i64} {
  func.func @_mlp_body(%arg0: memref<131072x256xf32, #tpu.memory_space<any>>, %arg1: memref<256x256xbf16, #tpu.memory_space<vmem>>, %arg2: memref<1x256xf32, #tpu.memory_space<vmem>>, %arg3: memref<128x256xbf16, #tpu.memory_space<vmem>>, %arg4: memref<32x4096xf32, #tpu.memory_space<vmem>>, %arg5: memref<4x4096x256xf32, #tpu.memory_space<vmem>>, %arg6: memref<4x!tpu.dma_semaphore, #tpu.memory_space<semaphore_mem>>) attributes {dimension_semantics = [], scalar_prefetch = 0 : i64, scratch_operands = 2 : i64, tpu.core_type = #tpu.core_type<tc>} {
    %dma_start3A = arith.constant 0 : i32
    %dma_start3A_0 = arith.constant 0 : i32
    %dma_start3A_1 = tpu.memref_slice %arg6[%dma_start3A_0] : memref<4x!tpu.dma_semaphore, #tpu.memory_space<semaphore_mem>> -> memref<1x!tpu.dma_semaphore, #tpu.memory_space<semaphore_mem>>
    %dma_start3A_2 = tpu.memref_squeeze %dma_start3A_1 : memref<1x!tpu.dma_semaphore, #tpu.memory_space<semaphore_mem>> -> memref<!tpu.dma_semaphore, #tpu.memory_space<semaphore_mem>>
    %dma_start3A_3 = arith.constant 0 : i32
    %dma_start3A_4 = arith.constant 0 : i32
    %dma_start3A_5 = tpu.memref_slice %arg5[%dma_start3A, %dma_start3A_3, %dma_start3A_4] : memref<4x4096x256xf32, #tpu.memory_space<vmem>> -> memref<1x4096x256xf32, #tpu.memory_space<vmem>>
    %dma_start3A_6 = tpu.memref_squeeze %dma_start3A_5 : memref<1x4096x256xf32, #tpu.memory_space<vmem>> -> memref<4096x256xf32, #tpu.memory_space<vmem>>
    %dma_start3A_7 = arith.constant 0 : i32
    %dma_start3A_8 = arith.constant 0 : i32
    %dma_start3A_9 = tpu.memref_slice %arg0[%dma_start3A_7, %dma_start3A_8] : memref<131072x256xf32, #tpu.memory_space<any>> -> memref<4096x256xf32, #tpu.memory_space<any>>
    tpu.enqueue_dma source(%dma_start3A_9 : memref<4096x256xf32, #tpu.memory_space<any>>) target(%dma_start3A_6 : memref<4096x256xf32, #tpu.memory_space<vmem>>) target_semaphore(%dma_start3A_2 : memref<!tpu.dma_semaphore, #tpu.memory_space<semaphore_mem>>)
    %dma_start3A_10 = arith.constant 1 : i32
    %dma_start3A_11 = arith.constant 1 : i32
    %dma_start3A_12 = tpu.memref_slice %arg6[%dma_start3A_11] : memref<4x!tpu.dma_semaphore, #tpu.memory_space<semaphore_mem>> -> memref<1x!tpu.dma_semaphore, #tpu.memory_space<semaphore_mem>>
    %dma_start3A_13 = tpu.memref_squeeze %dma_start3A_12 : memref<1x!tpu.dma_semaphore, #tpu.memory_space<semaphore_mem>> -> memref<!tpu.dma_semaphore, #tpu.memory_space<semaphore_mem>>
    %dma_start3A_14 = arith.constant 0 : i32
    %dma_start3A_15 = arith.constant 0 : i32
    %dma_start3A_16 = tpu.memref_slice %arg5[%dma_start3A_10, %dma_start3A_14, %dma_start3A_15] : memref<4x4096x256xf32, #tpu.memory_space<vmem>> -> memref<1x4096x256xf32, #tpu.memory_space<vmem>>
    %dma_start3A_17 = tpu.memref_squeeze %dma_start3A_16 : memref<1x4096x256xf32, #tpu.memory_space<vmem>> -> memref<4096x256xf32, #tpu.memory_space<vmem>>
    %dma_start3A_18 = arith.constant 4096 : i32
    %dma_start3A_19 = arith.constant 0 : i32
    %dma_start3A_20 = tpu.memref_slice %arg0[%dma_start3A_18, %dma_start3A_19] : memref<131072x256xf32, #tpu.memory_space<any>> -> memref<4096x256xf32, #tpu.memory_space<any>>
    tpu.enqueue_dma source(%dma_start3A_20 : memref<4096x256xf32, #tpu.memory_space<any>>) target(%dma_start3A_17 : memref<4096x256xf32, #tpu.memory_space<vmem>>) target_semaphore(%dma_start3A_13 : memref<!tpu.dma_semaphore, #tpu.memory_space<semaphore_mem>>)
    %dma_start3A_21 = arith.constant 2 : i32
    %dma_start3A_22 = arith.constant 2 : i32
    %dma_start3A_23 = tpu.memref_slice %arg6[%dma_start3A_22] : memref<4x!tpu.dma_semaphore, #tpu.memory_space<semaphore_mem>> -> memref<1x!tpu.dma_semaphore, #tpu.memory_space<semaphore_mem>>
    %dma_start3A_24 = tpu.memref_squeeze %dma_start3A_23 : memref<1x!tpu.dma_semaphore, #tpu.memory_space<semaphore_mem>> -> memref<!tpu.dma_semaphore, #tpu.memory_space<semaphore_mem>>
    %dma_start3A_25 = arith.constant 0 : i32
    %dma_start3A_26 = arith.constant 0 : i32
    %dma_start3A_27 = tpu.memref_slice %arg5[%dma_start3A_21, %dma_start3A_25, %dma_start3A_26] : memref<4x4096x256xf32, #tpu.memory_space<vmem>> -> memref<1x4096x256xf32, #tpu.memory_space<vmem>>
    %dma_start3A_28 = tpu.memref_squeeze %dma_start3A_27 : memref<1x4096x256xf32, #tpu.memory_space<vmem>> -> memref<4096x256xf32, #tpu.memory_space<vmem>>
    %dma_start3A_29 = arith.constant 8192 : i32
    %dma_start3A_30 = arith.constant 0 : i32
    %dma_start3A_31 = tpu.memref_slice %arg0[%dma_start3A_29, %dma_start3A_30] : memref<131072x256xf32, #tpu.memory_space<any>> -> memref<4096x256xf32, #tpu.memory_space<any>>
    tpu.enqueue_dma source(%dma_start3A_31 : memref<4096x256xf32, #tpu.memory_space<any>>) target(%dma_start3A_28 : memref<4096x256xf32, #tpu.memory_space<vmem>>) target_semaphore(%dma_start3A_24 : memref<!tpu.dma_semaphore, #tpu.memory_space<semaphore_mem>>)
    %scan3A = arith.constant 0 : i32
    %scan3A_32 = arith.constant 32 : i32
    %scan3A_33 = arith.addi %scan3A, %scan3A_32 : i32
    %scan3A_34 = arith.constant 1 : i32
    scf.for %scan3A_36 = %scan3A to %scan3A_33 step %scan3A_34  : i32 {
      %rem3A = arith.constant 4 : i32
      %rem3A_37 = arith.remsi %scan3A_36, %rem3A : i32
      %add3A = arith.constant 4 : i32
      %add3A_38 = arith.addi %scan3A_36, %add3A : i32
      %sub3A = arith.constant 1 : i32
      %sub3A_39 = arith.subi %add3A_38, %sub3A : i32
      %rem3A_40 = arith.constant 4 : i32
      %rem3A_41 = arith.remsi %sub3A_39, %rem3A_40 : i32
      %add3A_42 = arith.constant 4 : i32
      %add3A_43 = arith.addi %scan3A_36, %add3A_42 : i32
      %sub3A_44 = arith.constant 1 : i32
      %sub3A_45 = arith.subi %add3A_43, %sub3A_44 : i32
      %lt3A = arith.constant 32 : i32
      %lt3A_46 = arith.cmpi slt, %sub3A_45, %lt3A : i32
      %convert_element_type3A = arith.extui %lt3A_46 : i1 to i32
      %cond3A = arith.constant 0 : i32
      %cond3A_47 = arith.cmpi ne, %convert_element_type3A, %cond3A : i32
      scf.if %cond3A_47 {
        %add3A_78 = arith.constant 4 : i32
        %add3A_79 = arith.addi %scan3A_36, %add3A_78 : i32
        %sub3A_80 = arith.constant 1 : i32
        %sub3A_81 = arith.subi %add3A_79, %sub3A_80 : i32
        %mul3A_82 = arith.constant 4096 : i32
        %mul3A_83 = arith.muli %sub3A_81, %mul3A_82 : i32
        %dma_start3A_84 = tpu.memref_slice %arg6[%rem3A_41] : memref<4x!tpu.dma_semaphore, #tpu.memory_space<semaphore_mem>> -> memref<1x!tpu.dma_semaphore, #tpu.memory_space<semaphore_mem>>
        %dma_start3A_85 = tpu.memref_squeeze %dma_start3A_84 : memref<1x!tpu.dma_semaphore, #tpu.memory_space<semaphore_mem>> -> memref<!tpu.dma_semaphore, #tpu.memory_space<semaphore_mem>>
        %dma_start3A_86 = arith.constant 0 : i32
        %dma_start3A_87 = arith.constant 0 : i32
        %dma_start3A_88 = tpu.memref_slice %arg5[%rem3A_41, %dma_start3A_86, %dma_start3A_87] : memref<4x4096x256xf32, #tpu.memory_space<vmem>> -> memref<1x4096x256xf32, #tpu.memory_space<vmem>>
        %dma_start3A_89 = tpu.memref_squeeze %dma_start3A_88 : memref<1x4096x256xf32, #tpu.memory_space<vmem>> -> memref<4096x256xf32, #tpu.memory_space<vmem>>
        %dma_start3A_90 = arith.constant 0 : i32
        %dma_start3A_91 = tpu.memref_slice %arg0[%mul3A_83, %dma_start3A_90] : memref<131072x256xf32, #tpu.memory_space<any>> -> memref<4096x256xf32, #tpu.memory_space<any>>
        tpu.enqueue_dma source(%dma_start3A_91 : memref<4096x256xf32, #tpu.memory_space<any>>) target(%dma_start3A_89 : memref<4096x256xf32, #tpu.memory_space<vmem>>) target_semaphore(%dma_start3A_85 : memref<!tpu.dma_semaphore, #tpu.memory_space<semaphore_mem>>)
      } else {
      }
      %mul3A = arith.constant 4096 : i32
      %mul3A_48 = arith.muli %scan3A_36, %mul3A : i32
      %dma_wait3A = tpu.memref_slice %arg6[%rem3A_37] : memref<4x!tpu.dma_semaphore, #tpu.memory_space<semaphore_mem>> -> memref<1x!tpu.dma_semaphore, #tpu.memory_space<semaphore_mem>>
      %dma_wait3A_49 = tpu.memref_squeeze %dma_wait3A : memref<1x!tpu.dma_semaphore, #tpu.memory_space<semaphore_mem>> -> memref<!tpu.dma_semaphore, #tpu.memory_space<semaphore_mem>>
      %dma_wait3A_50 = arith.constant 0 : i32
      %dma_wait3A_51 = arith.constant 0 : i32
      %dma_wait3A_52 = tpu.memref_slice %arg5[%rem3A_37, %dma_wait3A_50, %dma_wait3A_51] : memref<4x4096x256xf32, #tpu.memory_space<vmem>> -> memref<1x4096x256xf32, #tpu.memory_space<vmem>>
      %dma_wait3A_53 = tpu.memref_squeeze %dma_wait3A_52 : memref<1x4096x256xf32, #tpu.memory_space<vmem>> -> memref<4096x256xf32, #tpu.memory_space<vmem>>
      %dma_wait3A_54 = arith.constant 0 : i32
      %dma_wait3A_55 = tpu.memref_slice %arg0[%mul3A_48, %dma_wait3A_54] : memref<131072x256xf32, #tpu.memory_space<any>> -> memref<4096x256xf32, #tpu.memory_space<any>>
      tpu.wait_dma2 semaphore(%dma_wait3A_49 : memref<!tpu.dma_semaphore, #tpu.memory_space<semaphore_mem>>) src(%dma_wait3A_55 : memref<4096x256xf32, #tpu.memory_space<any>>) dst(%dma_wait3A_53 : memref<4096x256xf32, #tpu.memory_space<vmem>>)
      %get3A = arith.index_cast %rem3A_37 : i32 to index
      %get3A_56 = arith.constant 0 : index
      %get3A_57 = arith.constant 0 : index
      %get3A_58 = vector.load %arg5[%get3A, %get3A_56, %get3A_57] : memref<4x4096x256xf32, #tpu.memory_space<vmem>>, vector<1x4096x256xf32>
      %get3A_59 = vector.shape_cast %get3A_58 : vector<1x4096x256xf32> to vector<4096x256xf32>
      %get3A_60 = arith.constant 0 : index
      %get3A_61 = arith.constant 0 : index
      %get3A_62 = vector.load %arg1[%get3A_60, %get3A_61] : memref<256x256xbf16, #tpu.memory_space<vmem>>, vector<256x256xbf16>
      %dot_general3A = arith.constant dense<0.000000e+00> : vector<4096x256xf32>
      %dot_general3A_63 = tpu.matmul %get3A_59, %get3A_62, %dot_general3A {dimension_numbers = #tpu.dot_dimension_numbers<[1], [0], [0], [1], [0, 0, 1, 1], [], []>, transpose_lhs_hint = false} : vector<4096x256xf32>, vector<256x256xbf16>, vector<4096x256xf32> -> vector<4096x256xf32>
      %get3A_64 = arith.constant 0 : index
      %get3A_65 = arith.constant 0 : index
      %get3A_66 = vector.load %arg2[%get3A_64, %get3A_65] : memref<1x256xf32, #tpu.memory_space<vmem>>, vector<1x256xf32>
      %add3A_67 = vector.broadcast %get3A_66 : vector<1x256xf32> to vector<4096x256xf32>
      %add3A_68 = arith.addf %dot_general3A_63, %add3A_67 : vector<4096x256xf32>
      %max3A = arith.constant 0.000000e+00 : f32
      %max3A_69 = vector.broadcast %max3A : f32 to vector<4096x256xf32>
      %max3A_70 = arith.maximumf %add3A_68, %max3A_69 : vector<4096x256xf32>
      %get3A_71 = arith.constant 0 : index
      %get3A_72 = arith.constant 0 : index
      %get3A_73 = vector.load %arg3[%get3A_71, %get3A_72] : memref<128x256xbf16, #tpu.memory_space<vmem>>, vector<128x256xbf16>
      %dot_general3A_74 = arith.constant dense<0.000000e+00> : vector<128x4096xf32>
      %dot_general3A_75 = tpu.matmul %get3A_73, %max3A_70, %dot_general3A_74 {dimension_numbers = #tpu.dot_dimension_numbers<[1], [1], [0], [0], [0, 0, 1, 0], [], []>, transpose_lhs_hint = false} : vector<128x256xbf16>, vector<4096x256xf32>, vector<128x4096xf32> -> vector<128x4096xf32>
      %slice3A = vector.extract_strided_slice %dot_general3A_75 {offsets = [0, 0], sizes = [1, 4096], strides = [1, 1]} : vector<128x4096xf32> to vector<1x4096xf32>
      %swap3A = arith.index_cast %scan3A_36 : i32 to index
      %swap3A_76 = arith.constant 0 : index
      %swap3A_77 = vector.load %arg4[%swap3A, %swap3A_76] : memref<32x4096xf32, #tpu.memory_space<vmem>>, vector<1x4096xf32>
      tpu.vector_store %arg4[%swap3A, %swap3A_76], %slice3A {strides = array<i32>} : memref<32x4096xf32, #tpu.memory_space<vmem>>, vector<1x4096xf32>,
    }
    %scan3A_35 = arith.constant 32 : i32
    return
  }
}

module attributes {stable_mosaic.version = 14 : i64} {
  func.func @_topk_body(%arg0: memref<64x2048xf32, #tpu.memory_space<vmem>>, %arg1: memref<64x32xi32, #tpu.memory_space<vmem>>, %arg2: memref<64x32xi32, #tpu.memory_space<vmem>>, %arg3: memref<64x1xf32, #tpu.memory_space<vmem>>, %arg4: memref<64x2048xf32, #tpu.memory_space<vmem>>) attributes {dimension_semantics = [], scalar_prefetch = 0 : i64, scratch_operands = 1 : i64, tpu.core_type = #tpu.core_type<tc>} {
    %get3A = arith.constant 0 : index
    %get3A_0 = arith.constant 0 : index
    %get3A_1 = vector.load %arg0[%get3A, %get3A_0] : memref<64x2048xf32, #tpu.memory_space<vmem>>, vector<64x2048xf32>
    %swap3A = arith.constant 0 : index
    %swap3A_2 = arith.constant 0 : index
    %swap3A_3 = vector.load %arg4[%swap3A, %swap3A_2] : memref<64x2048xf32, #tpu.memory_space<vmem>>, vector<64x2048xf32>
    tpu.vector_store %arg4[%swap3A, %swap3A_2], %get3A_1 {strides = array<i32>} : memref<64x2048xf32, #tpu.memory_space<vmem>>, vector<64x2048xf32>,
    %iota3A = tpu.iota {dimensions = array<i32: 1>} : vector<64x2048xi32>
    %iota3A_4 = tpu.iota {dimensions = array<i32: 1>} : vector<64x32xi32>
    %broadcast_in_dim3A = arith.constant 0 : i32
    %broadcast_in_dim3A_5 = vector.broadcast %broadcast_in_dim3A : i32 to vector<64x32xi32>
    %broadcast_in_dim3A_6 = arith.constant 0.000000e+00 : f32
    %broadcast_in_dim3A_7 = vector.broadcast %broadcast_in_dim3A_6 : f32 to vector<64x1xf32>
    %scan3A = arith.constant 0 : i32
    %scan3A_8 = arith.constant 32 : i32
    %scan3A_9 = arith.addi %scan3A, %scan3A_8 : i32
    %scan3A_10 = arith.constant 1 : i32
    %scan3A_11:2 = scf.for %scan3A_25 = %scan3A to %scan3A_9 step %scan3A_10 iter_args(%scan3A_26 = %broadcast_in_dim3A_5, %scan3A_27 = %broadcast_in_dim3A_7) -> (vector<64x32xi32>, vector<64x1xf32>)  : i32 {
      %get3A_28 = arith.constant 0 : index
      %get3A_29 = arith.constant 0 : index
      %get3A_30 = vector.load %arg4[%get3A_28, %get3A_29] : memref<64x2048xf32, #tpu.memory_space<vmem>>, vector<64x2048xf32>
      %reduce_max3A = arith.constant dense<0xFF800000> : vector<64xf32>
      %reduce_max3A_31 = vector.multi_reduction <maximumf>, %get3A_30, %reduce_max3A [1] : vector<64x2048xf32> to vector<64xf32>
      %broadcast_in_dim3A_32 = vector.shape_cast %reduce_max3A_31 : vector<64xf32> to vector<64x1xf32>
      %eq3A = vector.broadcast %broadcast_in_dim3A_32 : vector<64x1xf32> to vector<64x2048xf32>
      %eq3A_33 = arith.cmpf oeq, %get3A_30, %eq3A : vector<64x2048xf32>
      %jit3A = arith.constant 2048 : i32
      %broadcast_in_dim3A_34 = vector.broadcast %jit3A : i32 to vector<64x2048xi32>
      %select_n3A = arith.select %eq3A_33, %iota3A, %broadcast_in_dim3A_34 : vector<64x2048xi1>, vector<64x2048xi32>
      %reduce_min3A = arith.constant dense<2147483647> : vector<64xi32>
      %reduce_min3A_35 = vector.multi_reduction <minsi>, %select_n3A, %reduce_min3A [1] : vector<64x2048xi32> to vector<64xi32>
      %broadcast_in_dim3A_36 = vector.shape_cast %reduce_min3A_35 : vector<64xi32> to vector<64x1xi32>
      %log3A = math.log %broadcast_in_dim3A_32 : vector<64x1xf32>
      %add3A_37 = arith.addf %scan3A_27, %log3A : vector<64x1xf32>
      %eq3A_38 = vector.broadcast %broadcast_in_dim3A_36 : vector<64x1xi32> to vector<64x2048xi32>
      %eq3A_39 = arith.cmpi eq, %iota3A, %eq3A_38 : vector<64x2048xi32>
      %jit3A_40 = arith.constant -1.000000e+00 : f32
      %broadcast_in_dim3A_41 = vector.broadcast %jit3A_40 : f32 to vector<64x2048xf32>
      %select_n3A_42 = arith.select %eq3A_39, %broadcast_in_dim3A_41, %get3A_30 : vector<64x2048xi1>, vector<64x2048xf32>
      %swap3A_43 = arith.constant 0 : index
      %swap3A_44 = arith.constant 0 : index
      %swap3A_45 = vector.load %arg4[%swap3A_43, %swap3A_44] : memref<64x2048xf32, #tpu.memory_space<vmem>>, vector<64x2048xf32>
      tpu.vector_store %arg4[%swap3A_43, %swap3A_44], %select_n3A_42 {strides = array<i32>} : memref<64x2048xf32, #tpu.memory_space<vmem>>, vector<64x2048xf32>,
      %eq3A_46 = vector.broadcast %scan3A_25 : i32 to vector<64x32xi32>
      %eq3A_47 = arith.cmpi eq, %iota3A_4, %eq3A_46 : vector<64x32xi32>
      %broadcast_in_dim3A_48 = vector.shape_cast %broadcast_in_dim3A_36 : vector<64x1xi32> to vector<64x1xi32>
      %broadcast_in_dim3A_49 = vector.broadcast %broadcast_in_dim3A_48 : vector<64x1xi32> to vector<64x32xi32>
      %select_n3A_50 = arith.select %eq3A_47, %broadcast_in_dim3A_49, %scan3A_26 : vector<64x32xi1>, vector<64x32xi32>
      scf.yield %select_n3A_50, %add3A_37 : vector<64x32xi32>, vector<64x1xf32>
    }
    %scan3A_12 = arith.constant 32 : i32
    %swap3A_13 = arith.constant 0 : index
    %swap3A_14 = arith.constant 0 : index
    %swap3A_15 = vector.load %arg1[%swap3A_13, %swap3A_14] : memref<64x32xi32, #tpu.memory_space<vmem>>, vector<64x32xi32>
    tpu.vector_store %arg1[%swap3A_13, %swap3A_14], %scan3A_11#0 {strides = array<i32>} : memref<64x32xi32, #tpu.memory_space<vmem>>, vector<64x32xi32>,
    %iota3A_16 = tpu.iota {dimensions = array<i32: 0>} : vector<64x32xi32>
    %mul3A = arith.constant 2048 : i32
    %mul3A_17 = vector.broadcast %mul3A : i32 to vector<64x32xi32>
    %mul3A_18 = arith.muli %iota3A_16, %mul3A_17 : vector<64x32xi32>
    %add3A = arith.addi %scan3A_11#0, %mul3A_18 : vector<64x32xi32>
    %swap3A_19 = arith.constant 0 : index
    %swap3A_20 = arith.constant 0 : index
    %swap3A_21 = vector.load %arg2[%swap3A_19, %swap3A_20] : memref<64x32xi32, #tpu.memory_space<vmem>>, vector<64x32xi32>
    tpu.vector_store %arg2[%swap3A_19, %swap3A_20], %add3A {strides = array<i32>} : memref<64x32xi32, #tpu.memory_space<vmem>>, vector<64x32xi32>,
    %swap3A_22 = arith.constant 0 : index
    %swap3A_23 = arith.constant 0 : index
    %swap3A_24 = vector.load %arg3[%swap3A_22, %swap3A_23] : memref<64x1xf32, #tpu.memory_space<vmem>>, vector<64x1xf32>
    tpu.vector_store %arg3[%swap3A_22, %swap3A_23], %scan3A_11#1 {strides = array<i32>} : memref<64x1xf32, #tpu.memory_space<vmem>>, vector<64x1xf32>,
    return
  }
}

</mosaic_0001>

<sc_bundles>
// kernel: kernel.5.cloned.1.call-start
scs
__scs_entry_jumppad:
0x0: {  	(pc) =	sbr.rel $0x88, $3  }
0x1: {  	(tag) =	ssettag $0x0;
	lr =	simm.s32 $0x1  }
0x2: {  	[smem:$0x3F9C] =	sst lr;
	_ =	strace $0xD0000000  }
0x3: {  	_ = 	snop  }
0x4: {  	_ = 	snop  }
0x5: {  	_ = 	snop  }
0x6: {  	_ = 	snop  }
0x7: {  	_ = 	snop  }
__scs_overlays_trampoline_lowered:
0x8: {  	[smem:$0x3FAB] =	sst s0  }
0x9: {  	[smem:$0x3FAC] =	sst s1  }
0xa: {  	[smem:$0x3FAD] =	sst s2  }
0xb: {  	[smem:$0x3FAE] =	sst s3  }
0xc: {  	[smem:$0x3FAF] =	sst s4  }
0xd: {  	[smem:$0x3FB0] =	sst s5  }
0xe: {  	[smem:$0x3FB1] =	sst s6  }
0xf: {  	[smem:$0x3FB2] =	sst s7  }
0x10: {  	[smem:$0x3FB3] =	sst s8  }
0x11: {  	[smem:$0x3FB4] =	sst s9;
	s0 =	simm.s32 @!p0 $0x0  }
0x12: {  	s1 =	sld [smem:$0x3F9A];
	s0 =	simm.s32 @p0 $0x1  }
0x13: {  	[smem:$0x3FB5] =	sst s0;
	s0 =	simm.s32 @!p1 $0x0  }
0x14: {  	s2 =	sld [smem:$0x3F99];
	s0 =	simm.s32 @p1 $0x1  }
0x15: {  	[smem:$0x3FB6] =	sst s0;
	s0 =	simm.s32 @!p2 $0x0  }
0x16: {  	s3 =	sld [smem:$0x3FDB];
	s0 =	simm.s32 @p2 $0x1  }
0x17: {  	s4 =	simm.s32 $0x1BF5;
	[smem:$0x3FB8] =	sst s0  }
0x18: {  	s0 =	sld [smem:$0x3F9B];
	_ =	swait.ge [sflag:s4], $0x0  }
0x19: {  	s7 =	sld [smem:$0x3F9C]  }
0x1a: {  	s8 =	sadd.s32 $0xFFFFE003, lr  }
0x1b: {  	s9 =	sadd.s32 $0xFFFFFEF7, lr;
	s5 =	simm.s32 $0xFFFFFFFF;
	p2 =	slt.u32 s8, $0xFFFFF086  }
0x1c: {  	p1 =	slt.u32 s9, $0xF7A;
	s5 =	simm.s32 @!p2 $0x0  }
0x1d: {  	s5 =	simm.s32 @p1 $0x1;
	p0 =	seq.s32 s7, s2  }
0x1e: {  	s7 =	smul.u32 @!p0 $0xF7A, s2;
	p2 =	seq.s32 @!p0 s5, $0x0  }
0x1f: {  	s9 =	smul.u32 $0xF7A, s1;
	s8 =	simm.s32 @!p0 $0x1BF5;
	p2 =	por !p2, p0  }
0x20: {  	[sflag:s8] =	ssyncset.s32 @!p0 $0xFFFFF086;
	s6 =	sadd.s32 @!p0 s3, s7;
	s7 =	simm.s32 @!p0 $0x108  }
0x21: {  	s3 =	sadd.s32 s3, s9;
	s6 =	sadd.s32 @!p0 $0x88, s6;
	s7 =	simm.s32 @p2 $0x1082  }
0x22: {  	[simem:s7], [sflag:s8] =	dma.local @!p0 [hbm:s6], $0xF7A  }
0x23: {  	s9 =	sor.u32 $0xD0000000, s2;
	s6 =	simm.s32 $0x108;
	_ =	swait.ge @!p0 [sflag:s8], $0x0  }
0x24: {  	s3 =	sadd.s32 $0x88, s3;
	s6 =	simm.s32 @!p1 $0x1082;
	[sflag:s4] =	ssyncset.s32 $0xFFFFF086  }
0x25: {  	[simem:s6], [sflag:s4] =	dma.local [hbm:s3], $0xF7A  }
0x26: {  	[smem:$0x3F9C] =	sst s1;
	(tag) =	ssettag s2;
	_ =	strace s9  }
0x27: {  	s1 =	sld [smem:$0x3FAC]  }
0x28: {  	s2 =	sld [smem:$0x3FAD]  }
0x29: {  	s4 =	sld [smem:$0x3FAF]  }
0x2a: {  	p0 =	seq.s32 s5, $0x0;
	s5 =	sld [smem:$0x3FB0]  }
0x2b: {  	s6 =	sld [smem:$0x3FB1]  }
0x2c: {  	s7 =	sld [smem:$0x3FB2]  }
0x2d: {  	s3 =	simm.s32 $0x108;
	s8 =	sld [smem:$0x3FB3]  }
0x2e: {  	s3 =	simm.s32 @!p0 $0x1082;
	s9 =	sld [smem:$0x3FB4]  }
0x2f: {  	lr =	sadd.s32 s0, s3;
	s0 =	sld [smem:$0x3FAB]  }
0x30: {  	s3 =	sld [smem:$0x3FAE]  }
0x31: {  	[smem:$0x3FB7] =	sst s10  }
0x32: {  	s10 =	sld [smem:$0x3FB5];
	_ =	sdelay $0x3  }
0x33: {  	p0 =	seq.s32 s10, $0x1;
	s10 =	sld [smem:$0x3FB7];
	_ =	sdelay $0x3  }
0x34: {  	[smem:$0x3FB7] =	sst s10  }
0x35: {  	s10 =	sld [smem:$0x3FB6];
	_ =	sdelay $0x3  }
0x36: {  	p1 =	seq.s32 s10, $0x1;
	s10 =	sld [smem:$0x3FB7];
	_ =	sdelay $0x3  }
0x37: {  	[smem:$0x3FB7] =	sst s10  }
0x38: {  	s10 =	sld [smem:$0x3FB8]  }
0x39: {  	_ = 	snop;
	(pc) =	sbr.ind lr, $3  }
0x3a: {  	_ = 	snop  }
0x3b: {  	_ = 	snop  }
0x3c: {  	p2 =	seq.s32 s10, $0x1;
	s10 =	sld [smem:$0x3FB7]  }
0x3d: {  	_ =	shalt  }
0x3e: {  	_ =	shalt  }
0x3f: {  	_ =	shalt  }
0x40: {  	_ =	shalt  }
0x41: {  	_ =	shalt  }
0x42: {  	_ =	shalt  }
0x43: {  	_ =	shalt  }
0x44: {  	_ =	shalt  }
0x45: {  	_ =	shalt  }
0x46: {  	_ =	shalt  }
0x47: {  	_ =	shalt  }
0x48: {  	_ =	shalt  }
0x49: {  	_ =	shalt  }
0x4a: {  	_ =	shalt  }
0x4b: {  	_ =	shalt  }
0x4c: {  	_ =	shalt  }
0x4d: {  	_ =	shalt  }
0x4e: {  	_ =	shalt  }
0x4f: {  	_ =	shalt  }
0x50: {  	_ =	shalt  }
0x51: {  	_ =	shalt  }
0x52: {  	_ =	shalt  }
0x53: {  	_ =	shalt  }
0x54: {  	_ =	shalt  }
0x55: {  	_ =	shalt  }
0x56: {  	_ =	shalt  }
0x57: {  	_ =	shalt  }
0x58: {  	_ =	shalt  }
0x59: {  	_ =	shalt  }
0x5a: {  	_ =	shalt  }
0x5b: {  	_ =	shalt  }
0x5c: {  	_ =	shalt  }
0x5d: {  	_ =	shalt  }
0x5e: {  	_ =	shalt  }
0x5f: {  	_ =	shalt  }
0x60: {  	_ =	shalt  }
0x61: {  	_ =	shalt  }
0x62: {  	_ =	shalt  }
0x63: {  	_ =	shalt  }
0x64: {  	_ =	shalt  }
0x65: {  	_ =	shalt  }
0x66: {  	_ =	shalt  }
0x67: {  	_ =	shalt  }
0x68: {  	_ =	shalt  }
0x69: {  	_ =	shalt  }
0x6a: {  	_ =	shalt  }
0x6b: {  	_ =	shalt  }
0x6c: {  	_ =	shalt  }
0x6d: {  	_ =	shalt  }
0x6e: {  	_ =	shalt  }
0x6f: {  	_ =	shalt  }
0x70: {  	_ =	shalt  }
0x71: {  	_ =	shalt  }
0x72: {  	_ =	shalt  }
0x73: {  	_ =	shalt  }
0x74: {  	_ =	shalt  }
0x75: {  	_ =	shalt  }
0x76: {  	_ =	shalt  }
0x77: {  	_ =	shalt  }
0x78: {  	_ =	shalt  }
0x79: {  	_ =	shalt  }
0x7a: {  	_ =	shalt  }
0x7b: {  	_ =	shalt  }
0x7c: {  	_ =	shalt  }
0x7d: {  	_ =	shalt  }
0x7e: {  	_ =	shalt  }
0x7f: {  	_ =	shalt  }
0x80: {  	_ =	shalt  }
0x81: {  	_ =	shalt  }
0x82: {  	_ =	shalt  }
0x83: {  	_ =	shalt  }
0x84: {  	_ =	shalt  }
0x85: {  	_ =	shalt  }
0x86: {  	_ =	shalt  }
0x87: {  	_ =	shalt  }
.Lfunc_end0:
.L_simem_size_0:
called_computation_lowered:
.L_overlay_start_0:
0x88: {  	s2 =	sld [smem:$0x3FD9]  }
0x89: {  	s3 =	sld [smem:$0x3FFE];
	_ =	sdelay $0x1  }
0x8a: {  	s1 =	srdreg.scid  }
0x8b: {  	s0 =	sand.u32 $0x1, s1  }
0x8c: {  	s14 =	sshll.u32 s0, $0xA;
	s2 =	sadd.s32 s3, s2  }
0x8d: {  	s2 =	sadd.s32 s2, s14  }
0x8e: {  	[smem:$0x3FC3] =	sst s2  }
0x8f: {  	_ = 	snop  }
0x90: {  	s2 =	sld [smem:$0x3FD0];
	_ =	sdelay $0x2  }
0x91: {  	s4 =	simm.s32 $0xA;
	s5 =	simm.s32 $0x10;
	s15 =	sld [smem:$0x3FC9]  }
0x92: {  	[smem:s5], [sflag:s4] =	dma.local [hbm:s2], $0x1  }
0x93: {  	_ =	swait.eq [sflag:s4], $0x1  }
0x94: {  	[sflag:s4] =	ssyncset.done $0x0  }
0x95: {  	[sflag:s4] =	ssyncadd.s32 $0xFFFFFFFF  }
0x96: {  	s16 =	sld [smem:$0x13];
	(tm) =	ssettm $0x1  }
0x97: {  	s17 =	sld [smem:$0x3FFB];
	_ =	sdelay $0x3  }
0x98: {  	_ =	strace s17  }
0x99: {  	s4 =	sld [smem:$0x3FFC];
	_ =	sdelay $0x3  }
0x9a: {  	_ =	strace s4  }
0x9b: {  	s4 =	sld [smem:$0x3FFD];
	_ =	sdelay $0x3  }
0x9c: {  	_ =	strace s4  }
0x9d: {  	_ =	strace $0x8FFFFFFF  }
0x9e: {  	s18 =	sld [smem:$0x3FDB];
	_ =	sdelay $0x1  }
0x9f: {  	s19 =	simm.s32 $_scs_section_size  }
0xa0: {  	s6 =	simm.s32 $_size__tile_overlayer_lowered;
	s7 =	simm.s32 $_tile_overlayer_lowered  }
0xa1: {  	s22 =	simm.s32 $0x1BFF;
	s21 =	sshll.u32 s7, $0x1;
	s4 =	sadd.s32 s19, s18  }
0xa2: {  	s8 =	simm.s32 $0x0;
	s20 =	sshll.u32 s6, $0x1;
	s6 =	sadd.s32 s21, s4  }
0xa3: {  	[timem:s8], [sflag:s22] =	dma.local [hbm:s6], s20  }
0xa4: {  	_ =	swait.ge [sflag:s22], s20  }
0xa5: {  	s5 =	ssub.s32 $0x0, s20;
	[sflag:s22] =	ssyncset.done $0x0  }
0xa6: {  	[sflag:s22] =	ssyncadd.s32 s5;
	_ =	sdelay $0x1  }
0xa7: {  	s23 =	simm.s32 $0x1B8B  }
0xa8: {  	_ =	swait.ge [sflag:s23], $0x1  }
0xa9: {  	[sflag:s23] =	ssyncset.done $0x0  }
0xaa: {  	s25 =	simm.s32 $0x1B8E;
	s24 =	sld [smem:$0x3FFE];
	[sflag:s23] =	ssyncadd.s32 $0xFFFFFFFF  }
0xab: {  	s26 =	simm.s32 $execute0_lowered;
	[smem:$0x3FD2] =	sst s25  }
0xac: {  	s6 =	sshll.u32 s26, $0x1;
	_ =	strace $0x80000046;
	[dreg:$0x1] =	wrdreg $0xFFFFFFFF  }
0xad: {  	s28 =	simm.s32 $_size_execute0_lowered;
	s4 =	sadd.s32 s4, s6;
	[dreg:$0x0] =	wrdreg $0x0  }
0xae: {  	s6 =	sshll.u32 s28, $0x1;
	[dreg:$0x2] =	wrdreg s4  }
0xaf: {  	[dreg:$0x3] =	wrdreg s6  }
0xb0: {  	[dreg:$0x4] =	wrdreg $0xC0  }
0xb1: {  	_ =	task [dreg:s8], $0x5FFFF  }
0xb2: {  	[dreg:$0x1] =	wrdreg $0xFFFFFFFF  }
0xb3: {  	[dreg:$0x0] =	wrdreg $0x60  }
0xb4: {  	[dreg:$0x2] =	wrdreg s15  }
0xb5: {  	[dreg:$0x3] =	wrdreg s24  }
0xb6: {  	[dreg:$0x4] =	wrdreg s16  }
0xb7: {  	[dreg:$0x5] =	wrdreg $0x9  }
0xb8: {  	_ =	task.clear_ibuf [dreg:s8], $0x6FFFF;
	_ =	strace $0x90000046  }
0xb9: {  	s29 =	simm.s32 $0x9;
	_ =	strace $0x80000048  }
0xba: {  	_ =	swait.ge [sflag:s29], $0x1  }
0xbb: {  	[sflag:s29] =	ssyncadd.s32 $0xFFFFFFFF  }
0xbc: {  	_ =	strace $0x90000048  }
0xbd: {  	_ =	sfence  }
0xbe: {  	s30 =	sld [smem:$0x0];
	_ =	sdelay $0x2  }
0xbf: {  	s31 =	sshll.u32 s1, $0xD;
	s1 =	sshrl.u32 s1, $0x2  }
0xc0: {  	s3 =	sand.u32 $0x4000, s31;
	s1 =	sadd.s32 s1, s30  }
0xc1: {  	s0 =	sor.u32 s3, s0;
	s1 =	sshll.u32 s1, $0x11  }
0xc2: {  	s0 =	sor.u32 s1, s0  }
0xc3: {  	s0 =	sadd.s32 $0x8F2B, s0  }
0xc4: {  	[sflag:s0] =	ssyncadd.remote.s32 $0x1  }
0xc5: {  	_ =	sfence.sel $0xFFFF  }
0xc6: {  	[dreg:$0x0] =	wrdreg $0xFFFFFFFF;
	(pc) =	sbr.abs _section_cstart, $3  }
0xc7: {  	[dreg:$0x1] =	wrdreg $0xFFFFFFFF  }
0xc8: {  	_ =	task.clear_ibuf [dreg:s8], $0x2FFFF;
	_ =	strace $0x9FFFFFFF  }
0xc9: {  	(tm) =	ssettm $0x7FFFFFFF  }
tec
execute0_lowered:
.L_overlay_start_1:
0x0: {  	(tag) =	ssettag $0x1  }
0x1: {  	s1 =	rddreg [dreg:$0x0]  }
0x2: {  	s2 =	srdreg.scid;
	s4 =	rddreg [dreg:$0x1]  }
0x3: {  	s0 =	stileid.u32;
	s6 =	rddreg [dreg:$0x2]  }
0x4: {  	s3 =	simm.s32 $0x0;
	s9 =	simm.s32 $0x880;
	s10 =	simm.s32 $0x1080  }
0x5: {  	s11 =	simm.s32 $0x1880;
	s12 =	simm.s32 $0x2080;
	s13 =	simm.s32 $0x2880  }
0x6: {  	s14 =	simm.s32 $0x3080;
	s15 =	simm.s32 $0x3880;
	s16 =	simm.s32 $0x1  }
0x7: {  	s5 =	sand.u32 $0x1, s2;
	s7 =	sshll.u32 s0, $0x7;
	s2 =	rddreg [dreg:$0x3]  }
0x8: {  	[smem:$0x7FF] =	sst s3;
	s8 =	sshll.u32 s5, $0x6;
	s5 =	ssub.s32 $0x2, s5  }
0x9: {  	_ =	strace $0x80000047;
	s7 =	sor.u32 s8, s7;
	s30 =	sshrl.u32 s5, $0x1  }
0xa: {  	v2 =	vlaneseq.u32;
	s8 =	sshrl.u32 s7, $0x3;
	s31 =	sshll.u32 s7, $0x5;
	s7 =	simm.s32 $0x2  }
0xb: {  	vm0 =	vmmov $0xffff;
	v1 =	vshrl.u32 v2, $0x3;
	s4 =	sadd.s32 s8, s4;
	s8 =	ssub.s32 s5, s30;
	s5 =	sadd.s32 s6, s31  }
0xc: {  	v0 =	vand.u32 $0x7, v2;
	v2 =	vor.u32 $0x8, v2;
	v1 =	vmul.u32 $0x8, v1;
	s4 =	sadd.s32 $0x600, s4;
	s6 =	smax.u32 s8, $0x1;
	s8 =	simm.s32 $0x80  }
.LBB2_1:
0xd: {  	[tilespmem:s3], [sflag:$0x2] =	stream.linear.gather [hbm4b:s4+s3], $0x40, $0x38;
	[tilespmem:$0x4080] =	vst v63  }
0xe: {  	_ =	swait.ge [sflag:s7], $0x40  }
0xf: {  	[sflag:s7] =	ssyncset.done $0x0  }
0x10: {  	[sflag:s7] =	ssyncadd.s32 $0xFFFFFFC0  }
0x11: {  	v3 =	vld [tilespmem:$0x0];
	_ =	sdelay $0x4  }
0x12: {  	v4 =	vshll.u32 v3, $0x1  }
0x13: {  	v3 =	vand.u32 $0x7, v3;
	v4 =	vand.u32 $0xFFFFFFF0, v4  }
0x14: {  	v3 =	vor.u32 v3, v4  }
0x15: {  	v4 =	vperm.xlane v3, v0;
	_ =	sdelay $0x1  }
0x16: {  	v3 =	vperm.xlane v3, v2;
	v4 =	vadd.s32 v1, v4;
	_ =	sdelay $0x1  }
0x17: {  	v3 =	vadd.s32 v1, v3;
	_ =	sdelay $0x2  }
0x18: {  	[tilespmem:s8], [sflag:$0x1] =	stream.indirect_vreg.gather [hbm4b:s1+s3], $0x80, v4, vm0, $0xb8;
	[tilespmem:$0x4080] =	vst v63  }
0x19: {  	_ = 	snop  }
0x1a: {  	[tilespmem:s9], [sflag:$0x1] =	stream.indirect_vreg.gather [hbm4b:s1+s3], $0x80, v3, vm0, $0xb8;
	[tilespmem:$0x4080] =	vst v63  }
0x1b: {  	v3 =	vld [tilespmem:$0x10];
	_ =	sdelay $0x4  }
0x1c: {  	v61 =	vshll.u32 v3, $0x1  }
0x1d: {  	v3 =	vand.u32 $0x7, v3;
	v4 =	vand.u32 $0xFFFFFFF0, v61  }
0x1e: {  	v3 =	vor.u32 v3, v4  }
0x1f: {  	v4 =	vperm.xlane v3, v0;
	_ =	sdelay $0x1  }
0x20: {  	v3 =	vperm.xlane v3, v2;
	v4 =	vadd.s32 v1, v4;
	_ =	sdelay $0x1  }
0x21: {  	v3 =	vadd.s32 v1, v3;
	_ =	sdelay $0x2  }
0x22: {  	[tilespmem:s10], [sflag:$0x1] =	stream.indirect_vreg.gather [hbm4b:s1+s3], $0x80, v4, vm0, $0xb8;
	[tilespmem:$0x4080] =	vst v63  }
0x23: {  	_ = 	snop  }
0x24: {  	[tilespmem:s11], [sflag:$0x1] =	stream.indirect_vreg.gather [hbm4b:s1+s3], $0x80, v3, vm0, $0xb8;
	[tilespmem:$0x4080] =	vst v63  }
0x25: {  	v3 =	vld [tilespmem:$0x20];
	_ =	sdelay $0x4  }
0x26: {  	v62 =	vshll.u32 v3, $0x1  }
0x27: {  	v3 =	vand.u32 $0x7, v3;
	v4 =	vand.u32 $0xFFFFFFF0, v62  }
0x28: {  	v3 =	vor.u32 v3, v4  }
0x29: {  	v4 =	vperm.xlane v3, v0;
	_ =	sdelay $0x1  }
0x2a: {  	v3 =	vperm.xlane v3, v2;
	v4 =	vadd.s32 v1, v4;
	_ =	sdelay $0x1  }
0x2b: {  	v3 =	vadd.s32 v1, v3;
	_ =	sdelay $0x2  }
0x2c: {  	[tilespmem:s12], [sflag:$0x1] =	stream.indirect_vreg.gather [hbm4b:s1+s3], $0x80, v4, vm0, $0xb8;
	[tilespmem:$0x4080] =	vst v63  }
0x2d: {  	_ = 	snop  }
0x2e: {  	[tilespmem:s13], [sflag:$0x1] =	stream.indirect_vreg.gather [hbm4b:s1+s3], $0x80, v3, vm0, $0xb8;
	[tilespmem:$0x4080] =	vst v63  }
0x2f: {  	v3 =	vld [tilespmem:$0x30];
	_ =	sdelay $0x4  }
0x30: {  	v63 =	vshll.u32 v3, $0x1  }
0x31: {  	v3 =	vand.u32 $0x7, v3;
	v4 =	vand.u32 $0xFFFFFFF0, v63  }
0x32: {  	v3 =	vor.u32 v3, v4  }
0x33: {  	v4 =	vperm.xlane v3, v0;
	_ =	sdelay $0x1  }
0x34: {  	v3 =	vperm.xlane v3, v2;
	v4 =	vadd.s32 v1, v4;
	_ =	sdelay $0x1  }
0x35: {  	v3 =	vadd.s32 v1, v3;
	_ =	sdelay $0x2  }
0x36: {  	[tilespmem:s14], [sflag:$0x1] =	stream.indirect_vreg.gather [hbm4b:s1+s3], $0x80, v4, vm0, $0xb8;
	[tilespmem:$0x4080] =	vst v63  }
0x37: {  	_ = 	snop  }
0x38: {  	[tilespmem:s15], [sflag:$0x1] =	stream.indirect_vreg.gather [hbm4b:s1+s3], $0x80, v3, vm0, $0xb8;
	[tilespmem:$0x4080] =	vst v63  }
0x39: {  	_ =	swait.ge [sflag:s16], $0x4000  }
0x3a: {  	p0 =	sne.s32 s6, $0x1;
	[sflag:s16] =	ssyncset.done $0x0  }
.Ltmp0:
0x3b: {  	[sflag:s16] =	ssyncadd.s32 $0xFFFFC000;
	(pc) =	sbr.rel @p0 .LBB2_1-.Ltmp0, $4  }
0x3c: {  	[hbm4b:s5+s3] =	stream.linear.scatter [tilespmem:s8], [sflag:$0x2], $0x4000, $0x38;
	[tilespmem:$0x4080] =	vst v63  }
0x3d: {  	_ =	swait.ge [sflag:s7], $0x4000  }
0x3e: {  	[sflag:s7] =	ssyncset.done $0x0  }
0x3f: {  	s6 =	sadd.s32 $0xFFFFFFFF, s6;
	[sflag:s7] =	ssyncadd.s32 $0xFFFFC000  }
0x40: {  	_ =	sfence.sel $0x180000  }
0x41: {  	[bflag:$0x0] =	sbarrier.arrive $0xFFFF  }
0x42: {  	p0 =	sne.s32 s0, $0x0;
	_ =	strace $0x90000047  }
0x43: {  	s0 =	sadd.s32 @!p0 $0x100000, s2;
	[bflag:$0x2] =	sbarrier.arrive $0xFFFF  }
0x44: {  	[sflag:s0] =	ssyncadd.tile.s32 @!p0 $0x1;
	_ =	shalt  }
.Lfunc_end2:
_tile_overlayer_lowered:
.L_overlay_start_2:
0x45: {  	(tag) =	ssettag $0x2  }
0x46: {  	s0 =	rddreg [dreg:$0x0];
	s2 =	stileid.u32  }
0x47: {  	s1 =	rddreg [dreg:$0x1];
	p0 =	sne.s32 s2, $0x0  }
0x48: {  	s3 =	rddreg [dreg:$0x2];
	[bflag:$0x3] =	sbarrier.arrive $0xFFFF;
	s2 =	simm.s32 @!p0 $0x1C02  }
0x49: {  	[timem:s3], [sflag:s2] =	dma.local @!p0 [hbm:s0], s1  }
0x4a: {  	s0 =	simm.s32 @!p0 $0x2  }
0x4b: {  	_ =	swait.ge @!p0 [sflag:s0], s1  }
0x4c: {  	s1 =	ssub.s32 @!p0 $0x0, s1;
	[sflag:s0] =	ssyncset.done @!p0 $0x0  }
0x4d: {  	[sflag:s0] =	ssyncadd.s32 @!p0 s1  }
0x4e: {  	[bflag:$0x3] =	sbarrier.arrive $0xFFFF  }
0x4f: {  	_ =	shalt  }

</sc_bundles>
